<compile_context>
chip_gen: v7x
topology: tpu7x:2x2x1
jax: 0.10.2.dev20260603
libtpu: 0.0.44.dev20260713+nightly
codegen_flags: <defaults>
</compile_context>

<pallas_src>
import functools

import jax
import jax.numpy as jnp
from jax import lax
from jax.experimental import pallas as pl
from jax.experimental.pallas import tpu as pltpu
from jax.experimental.pallas import tpu_sc as plsc

B = 16384
V = 100000
D = 128

_NC = 2
_NS = 16
_NW = _NC * _NS

_NCHUNKS = 1
_CB = B // _NCHUNKS


def _sc_gather3(t0, t1, t2, i0, i1, i2, nrows, row0):
    bpw = nrows // _NW
    sub = max(1, bpw // 256)
    ch = bpw // sub
    nbuf = 3
    lookahead = 2

    mesh = plsc.VectorSubcoreMesh(
        core_axis_name="c", subcore_axis_name="s",
        num_cores=_NC, num_subcores=_NS)

    ntasks = 3 * sub

    @functools.partial(
        pl.kernel,
        out_type=(
            jax.ShapeDtypeStruct((nrows, D), jnp.float32),
            jax.ShapeDtypeStruct((nrows, D), jnp.float32),
            jax.ShapeDtypeStruct((nrows, D), jnp.float32),
        ),
        mesh=mesh,
        scratch_types=(
            [pltpu.VMEM((ch,), jnp.int32) for _ in range(ntasks)]
            + [pltpu.VMEM((ch, D), jnp.float32) for _ in range(nbuf)]
            + [pltpu.SemaphoreType.DMA for _ in range(2 * nbuf + 1)]
        ),
    )
    def gather_kernel(t0_h, t1_h, t2_h, i0_h, i1_h, i2_h,
                      o0_h, o1_h, o2_h, *scr):
        idxs = scr[:ntasks]
        bufs = scr[ntasks:ntasks + nbuf]
        sems_g = scr[ntasks + nbuf:ntasks + 2 * nbuf]
        sems_w = scr[ntasks + 2 * nbuf:ntasks + 3 * nbuf]
        sem_i = scr[ntasks + 3 * nbuf]
        wid = lax.axis_index("s") * _NC + lax.axis_index("c")
        base = wid * bpw
        ibase = row0 + wid * bpw
        tasks = [(tab, idx, out, h * ch)
                 for (tab, idx, out) in ((t0_h, i0_h, o0_h),
                                         (t1_h, i1_h, o1_h),
                                         (t2_h, i2_h, o2_h))
                 for h in range(sub)]
        n = len(tasks)
        icopies = [pltpu.async_copy(idx.at[pl.ds(ibase + off, ch)],
                                    idxs[t], sem_i)
                   for t, (_, idx, _, off) in enumerate(tasks)]
        for d in icopies:
            d.wait()
        gath = [None] * nbuf
        writes = [None] * nbuf
        for t in range(n + lookahead):
            if t < n:
                slot = t % nbuf
                if writes[slot] is not None:
                    writes[slot].wait()
                    writes[slot] = None
                tab, _, _, _ = tasks[t]
                gath[slot] = pltpu.async_copy(
                    tab.at[idxs[t]], bufs[slot], sems_g[slot])
            if t >= lookahead:
                u = t - lookahead
                slot = u % nbuf
                gath[slot].wait()
                _, _, out, off = tasks[u]
                writes[slot] = pltpu.async_copy(
                    bufs[slot], out.at[pl.ds(base + off, ch)], sems_w[slot])
        for w in writes:
            if w is not None:
                w.wait()

    return gather_kernel(t0, t1, t2, i0, i1, i2)


_TCG = 2


def _tc_body(e0_r, e1_r, e2_r, w0_r, w1_r, w2_r, b_r, out_r):
    acc = jnp.dot(e0_r[...], w0_r[...], preferred_element_type=jnp.float32)
    acc += jnp.dot(e1_r[...], w1_r[...], preferred_element_type=jnp.float32)
    acc += jnp.dot(e2_r[...], w2_r[...], preferred_element_type=jnp.float32)
    out_r[...] = acc + b_r[...]


def _tc_body_alias(e0_r, e1_r, e2_r, w0_r, w1_r, w2_r, b_r, acc_r, out_r):
    del acc_r
    _tc_body(e0_r, e1_r, e2_r, w0_r, w1_r, w2_r, b_r, out_r)


def _tc_matmul_chunk(e0, e1, e2, w0, w1, w2, bsum, chunk, acc):
    bs = _CB // _TCG
    eb = pl.BlockSpec((bs, D), lambda i: (i, 0))
    wb = pl.BlockSpec((D, D), lambda i: (0, 0))
    bb = pl.BlockSpec((1, D), lambda i: (0, 0))
    out_spec = pl.BlockSpec((bs, D), lambda i: (chunk * _TCG + i, 0))
    params = pltpu.CompilerParams(dimension_semantics=("arbitrary",))
    if acc is None:
        return pl.pallas_call(
            _tc_body,
            grid=(_TCG,),
            in_specs=[eb, eb, eb, wb, wb, wb, bb],
            out_specs=out_spec,
            out_shape=jax.ShapeDtypeStruct((B, D), jnp.float32),
            compiler_params=params,
        )(e0, e1, e2, w0, w1, w2, bsum)
    return pl.pallas_call(
        _tc_body_alias,
        grid=(_TCG,),
        in_specs=[eb, eb, eb, wb, wb, wb, bb,
                  pl.BlockSpec(memory_space=pl.ANY)],
        out_specs=out_spec,
        out_shape=jax.ShapeDtypeStruct((B, D), jnp.float32),
        input_output_aliases={7: 0},
        compiler_params=params,
    )(e0, e1, e2, w0, w1, w2, bsum, acc)


def kernel(Target, Type, Location, T_Target, T_Type, T_Location,
           W0, b0, W1, b1, W2, b2):
    i0 = Target.astype(jnp.int32)
    i1 = Type.astype(jnp.int32)
    i2 = Location.astype(jnp.int32)
    bsum = (b0 + b1 + b2).reshape(1, D)
    chunks = []
    for c in range(_NCHUNKS):
        chunks.append(_sc_gather3(T_Target, T_Type, T_Location,
                                  i0, i1, i2, _CB, c * _CB))
    acc = None
    for c, (e0, e1, e2) in enumerate(chunks):
        acc = _tc_matmul_chunk(e0, e1, e2, W0, W1, W2, bsum, c, acc)
    return acc

# --- scband reference (transcript-rebuilt; emitter-appended) ---
"""Pipeline reference for scband-trans-embedding-8022998909569 (READ-ONLY COPY).

The authoritative reference and input builder live on the scoring server;
editing this copy changes nothing except your own understanding.
"""

import jax, jax.numpy as jnp
import numpy as np

B = 16384
V = 100000
D = 128

def setup_inputs(seed: int = 0) -> dict:
    key = jax.random.key(seed)
    ks = jax.random.split(key, 12)
    inp = {
        "Target": jax.random.randint(ks[0], (B,), 0, V),
        "Type": jax.random.randint(ks[1], (B,), 0, V),
        "Location": jax.random.randint(ks[2], (B,), 0, V),
        # learned embedding tables (nn.Embedding(vocab, in_feats) per cat feature)
        "T_Target": jax.random.normal(ks[3], (V, D), dtype=jnp.float32) * 0.02,
        "T_Type": jax.random.normal(ks[4], (V, D), dtype=jnp.float32) * 0.02,
        "T_Location": jax.random.normal(ks[5], (V, D), dtype=jnp.float32) * 0.02,
        # per-field Linear(in_feats, in_feats) weights (already transposed so y = x @ W + b)
        "W0": jax.random.normal(ks[6], (D, D), dtype=jnp.float32) * 0.02,
        "b0": jnp.zeros((D,), dtype=jnp.float32),
        "W1": jax.random.normal(ks[7], (D, D), dtype=jnp.float32) * 0.02,
        "b1": jnp.zeros((D,), dtype=jnp.float32),
        "W2": jax.random.normal(ks[8], (D, D), dtype=jnp.float32) * 0.02,
        "b2": jnp.zeros((D,), dtype=jnp.float32),
    }
    return inp

def reference(Target, Type, Location, T_Target, T_Type, T_Location, W0, b0, W1, b1, W2, b2):
    # TransEmbedding.forward: per cat feature -> embedding lookup -> dropout (eval: identity) -> Linear -> sum
    e0 = jnp.take(T_Target, Target, axis=0)      # [B, D] gather
    e1 = jnp.take(T_Type, Type, axis=0)          # [B, D] gather
    e2 = jnp.take(T_Location, Location, axis=0)  # [B, D] gather
    s0 = e0 @ W0 + b0
    s1 = e1 @ W1 + b1
    s2 = e2 @ W2 + b2
    output = s0 + s1 + s2
    return output

if __name__ == "__main__":
    import jax
    _d = setup_inputs()
    print(jax.jit(kernel)(*tuple(_d.values())))

</pallas_src>

<mosaic_0001>
#map = affine_map<(d0, d1) -> (0, 0)>
#map1 = affine_map<(d0, d1) -> (0)>
module attributes {stable_mosaic.version = 14 : i64} {
  func.func @gather_kernel(%arg0: i32, %arg1: i32, %arg2: memref<100000x128xf32, #tpu.memory_space<hbm>>, %arg3: memref<100000x128xf32, #tpu.memory_space<hbm>>, %arg4: memref<100000x128xf32, #tpu.memory_space<hbm>>, %arg5: memref<16384xi32, #tpu.memory_space<hbm>>, %arg6: memref<16384xi32, #tpu.memory_space<hbm>>, %arg7: memref<16384xi32, #tpu.memory_space<hbm>>, %arg8: memref<16384x128xf32, #tpu.memory_space<hbm>>, %arg9: memref<16384x128xf32, #tpu.memory_space<hbm>>, %arg10: memref<16384x128xf32, #tpu.memory_space<hbm>>, %arg11: memref<256xi32, #tpu.memory_space<vmem>>, %arg12: memref<256xi32, #tpu.memory_space<vmem>>, %arg13: memref<256xi32, #tpu.memory_space<vmem>>, %arg14: memref<256xi32, #tpu.memory_space<vmem>>, %arg15: memref<256xi32, #tpu.memory_space<vmem>>, %arg16: memref<256xi32, #tpu.memory_space<vmem>>, %arg17: memref<256x128xf32, #tpu.memory_space<vmem>>, %arg18: memref<256x128xf32, #tpu.memory_space<vmem>>, %arg19: memref<256x128xf32, #tpu.memory_space<vmem>>, %arg20: memref<!tpu.dma_semaphore, #tpu.memory_space<semaphore_mem>>, %arg21: memref<!tpu.dma_semaphore, #tpu.memory_space<semaphore_mem>>, %arg22: memref<!tpu.dma_semaphore, #tpu.memory_space<semaphore_mem>>, %arg23: memref<!tpu.dma_semaphore, #tpu.memory_space<semaphore_mem>>, %arg24: memref<!tpu.dma_semaphore, #tpu.memory_space<semaphore_mem>>, %arg25: memref<!tpu.dma_semaphore, #tpu.memory_space<semaphore_mem>>, %arg26: memref<!tpu.dma_semaphore, #tpu.memory_space<semaphore_mem>>) attributes {dimension_semantics = [#tpu.dimension_semantics<core_parallel>, #tpu.dimension_semantics<subcore_parallel>], iteration_bounds = array<i64: 2, 16>, scalar_prefetch = 0 : i64, scratch_operands = 16 : i64, tpu.core_type = #tpu.core_type<sc_vector_subcore>, window_params = [{transform_indices = #map}, {transform_indices = #map}, {transform_indices = #map}, {transform_indices = #map1}, {transform_indices = #map1}, {transform_indices = #map1}, {transform_indices = #map}, {transform_indices = #map}, {transform_indices = #map}]} {
    %mul3A = arith.constant 2 : i32
    %mul3A_0 = arith.muli %arg1, %mul3A : i32
    %add3A = arith.addi %mul3A_0, %arg0 : i32
    %mul3A_1 = arith.constant 512 : i32
    %mul3A_2 = arith.muli %add3A, %mul3A_1 : i32
    %mul3A_3 = arith.constant 512 : i32
    %mul3A_4 = arith.muli %add3A, %mul3A_3 : i32
    %add3A_5 = arith.constant 0 : i32
    %add3A_6 = arith.addi %add3A_5, %mul3A_4 : i32
    %add3A_7 = arith.constant 0 : i32
    %add3A_8 = arith.addi %add3A_6, %add3A_7 : i32
    %dma_start3A = tpu.memref_slice %arg5[%add3A_8] : memref<16384xi32, #tpu.memory_space<hbm>> -> memref<256xi32, #tpu.memory_space<hbm>>
    %dma_start3A_9 = tpu.memref_slice %arg5[%add3A_8] : memref<16384xi32, #tpu.memory_space<hbm>> -> memref<256xi32, #tpu.memory_space<hbm>>
    tpu.enqueue_dma source(%dma_start3A_9 : memref<256xi32, #tpu.memory_space<hbm>>) target(%arg11 : memref<256xi32, #tpu.memory_space<vmem>>) target_semaphore(%arg26 : memref<!tpu.dma_semaphore, #tpu.memory_space<semaphore_mem>>)
    %add3A_10 = arith.constant 256 : i32
    %add3A_11 = arith.addi %add3A_6, %add3A_10 : i32
    %dma_start3A_12 = tpu.memref_slice %arg5[%add3A_11] : memref<16384xi32, #tpu.memory_space<hbm>> -> memref<256xi32, #tpu.memory_space<hbm>>
    %dma_start3A_13 = tpu.memref_slice %arg5[%add3A_11] : memref<16384xi32, #tpu.memory_space<hbm>> -> memref<256xi32, #tpu.memory_space<hbm>>
    tpu.enqueue_dma source(%dma_start3A_13 : memref<256xi32, #tpu.memory_space<hbm>>) target(%arg12 : memref<256xi32, #tpu.memory_space<vmem>>) target_semaphore(%arg26 : memref<!tpu.dma_semaphore, #tpu.memory_space<semaphore_mem>>)
    %add3A_14 = arith.constant 0 : i32
    %add3A_15 = arith.addi %add3A_6, %add3A_14 : i32
    %dma_start3A_16 = tpu.memref_slice %arg6[%add3A_15] : memref<16384xi32, #tpu.memory_space<hbm>> -> memref<256xi32, #tpu.memory_space<hbm>>
    %dma_start3A_17 = tpu.memref_slice %arg6[%add3A_15] : memref<16384xi32, #tpu.memory_space<hbm>> -> memref<256xi32, #tpu.memory_space<hbm>>
    tpu.enqueue_dma source(%dma_start3A_17 : memref<256xi32, #tpu.memory_space<hbm>>) target(%arg13 : memref<256xi32, #tpu.memory_space<vmem>>) target_semaphore(%arg26 : memref<!tpu.dma_semaphore, #tpu.memory_space<semaphore_mem>>)
    %add3A_18 = arith.constant 256 : i32
    %add3A_19 = arith.addi %add3A_6, %add3A_18 : i32
    %dma_start3A_20 = tpu.memref_slice %arg6[%add3A_19] : memref<16384xi32, #tpu.memory_space<hbm>> -> memref<256xi32, #tpu.memory_space<hbm>>
    %dma_start3A_21 = tpu.memref_slice %arg6[%add3A_19] : memref<16384xi32, #tpu.memory_space<hbm>> -> memref<256xi32, #tpu.memory_space<hbm>>
    tpu.enqueue_dma source(%dma_start3A_21 : memref<256xi32, #tpu.memory_space<hbm>>) target(%arg14 : memref<256xi32, #tpu.memory_space<vmem>>) target_semaphore(%arg26 : memref<!tpu.dma_semaphore, #tpu.memory_space<semaphore_mem>>)
    %add3A_22 = arith.constant 0 : i32
    %add3A_23 = arith.addi %add3A_6, %add3A_22 : i32
    %dma_start3A_24 = tpu.memref_slice %arg7[%add3A_23] : memref<16384xi32, #tpu.memory_space<hbm>> -> memref<256xi32, #tpu.memory_space<hbm>>
    %dma_start3A_25 = tpu.memref_slice %arg7[%add3A_23] : memref<16384xi32, #tpu.memory_space<hbm>> -> memref<256xi32, #tpu.memory_space<hbm>>
    tpu.enqueue_dma source(%dma_start3A_25 : memref<256xi32, #tpu.memory_space<hbm>>) target(%arg15 : memref<256xi32, #tpu.memory_space<vmem>>) target_semaphore(%arg26 : memref<!tpu.dma_semaphore, #tpu.memory_space<semaphore_mem>>)
    %add3A_26 = arith.constant 256 : i32
    %add3A_27 = arith.addi %add3A_6, %add3A_26 : i32
    %dma_start3A_28 = tpu.memref_slice %arg7[%add3A_27] : memref<16384xi32, #tpu.memory_space<hbm>> -> memref<256xi32, #tpu.memory_space<hbm>>
    %dma_start3A_29 = tpu.memref_slice %arg7[%add3A_27] : memref<16384xi32, #tpu.memory_space<hbm>> -> memref<256xi32, #tpu.memory_space<hbm>>
    tpu.enqueue_dma source(%dma_start3A_29 : memref<256xi32, #tpu.memory_space<hbm>>) target(%arg16 : memref<256xi32, #tpu.memory_space<vmem>>) target_semaphore(%arg26 : memref<!tpu.dma_semaphore, #tpu.memory_space<semaphore_mem>>)
    %dma_wait3A = tpu.memref_slice %arg5[%add3A_8] : memref<16384xi32, #tpu.memory_space<hbm>> -> memref<256xi32, #tpu.memory_space<hbm>>
    %dma_wait3A_30 = tpu.memref_slice %arg5[%add3A_8] : memref<16384xi32, #tpu.memory_space<hbm>> -> memref<256xi32, #tpu.memory_space<hbm>>
    tpu.wait_dma2 semaphore(%arg26 : memref<!tpu.dma_semaphore, #tpu.memory_space<semaphore_mem>>) src(%dma_wait3A_30 : memref<256xi32, #tpu.memory_space<hbm>>) dst(%arg11 : memref<256xi32, #tpu.memory_space<vmem>>)
    %dma_wait3A_31 = tpu.memref_slice %arg5[%add3A_11] : memref<16384xi32, #tpu.memory_space<hbm>> -> memref<256xi32, #tpu.memory_space<hbm>>
    %dma_wait3A_32 = tpu.memref_slice %arg5[%add3A_11] : memref<16384xi32, #tpu.memory_space<hbm>> -> memref<256xi32, #tpu.memory_space<hbm>>
    tpu.wait_dma2 semaphore(%arg26 : memref<!tpu.dma_semaphore, #tpu.memory_space<semaphore_mem>>) src(%dma_wait3A_32 : memref<256xi32, #tpu.memory_space<hbm>>) dst(%arg12 : memref<256xi32, #tpu.memory_space<vmem>>)
    %dma_wait3A_33 = tpu.memref_slice %arg6[%add3A_15] : memref<16384xi32, #tpu.memory_space<hbm>> -> memref<256xi32, #tpu.memory_space<hbm>>
    %dma_wait3A_34 = tpu.memref_slice %arg6[%add3A_15] : memref<16384xi32, #tpu.memory_space<hbm>> -> memref<256xi32, #tpu.memory_space<hbm>>
    tpu.wait_dma2 semaphore(%arg26 : memref<!tpu.dma_semaphore, #tpu.memory_space<semaphore_mem>>) src(%dma_wait3A_34 : memref<256xi32, #tpu.memory_space<hbm>>) dst(%arg13 : memref<256xi32, #tpu.memory_space<vmem>>)
    %dma_wait3A_35 = tpu.memref_slice %arg6[%add3A_19] : memref<16384xi32, #tpu.memory_space<hbm>> -> memref<256xi32, #tpu.memory_space<hbm>>
    %dma_wait3A_36 = tpu.memref_slice %arg6[%add3A_19] : memref<16384xi32, #tpu.memory_space<hbm>> -> memref<256xi32, #tpu.memory_space<hbm>>
    tpu.wait_dma2 semaphore(%arg26 : memref<!tpu.dma_semaphore, #tpu.memory_space<semaphore_mem>>) src(%dma_wait3A_36 : memref<256xi32, #tpu.memory_space<hbm>>) dst(%arg14 : memref<256xi32, #tpu.memory_space<vmem>>)
    %dma_wait3A_37 = tpu.memref_slice %arg7[%add3A_23] : memref<16384xi32, #tpu.memory_space<hbm>> -> memref<256xi32, #tpu.memory_space<hbm>>
    %dma_wait3A_38 = tpu.memref_slice %arg7[%add3A_23] : memref<16384xi32, #tpu.memory_space<hbm>> -> memref<256xi32, #tpu.memory_space<hbm>>
    tpu.wait_dma2 semaphore(%arg26 : memref<!tpu.dma_semaphore, #tpu.memory_space<semaphore_mem>>) src(%dma_wait3A_38 : memref<256xi32, #tpu.memory_space<hbm>>) dst(%arg15 : memref<256xi32, #tpu.memory_space<vmem>>)
    %dma_wait3A_39 = tpu.memref_slice %arg7[%add3A_27] : memref<16384xi32, #tpu.memory_space<hbm>> -> memref<256xi32, #tpu.memory_space<hbm>>
    %dma_wait3A_40 = tpu.memref_slice %arg7[%add3A_27] : memref<16384xi32, #tpu.memory_space<hbm>> -> memref<256xi32, #tpu.memory_space<hbm>>
    tpu.wait_dma2 semaphore(%arg26 : memref<!tpu.dma_semaphore, #tpu.memory_space<semaphore_mem>>) src(%dma_wait3A_40 : memref<256xi32, #tpu.memory_space<hbm>>) dst(%arg16 : memref<256xi32, #tpu.memory_space<vmem>>)
    %dma_start3A_41 = arith.constant 0 : i32
    %dma_start3A_42 = arith.constant 0 : i32
    %dma_start3A_43 = tpu.memref_slice %arg2[%dma_start3A_41, %dma_start3A_42] : memref<100000x128xf32, #tpu.memory_space<hbm>> -> memref<100000x128xf32, #tpu.memory_space<hbm>>
    tpu.enqueue_indirect_dma source(%dma_start3A_43 : memref<100000x128xf32, #tpu.memory_space<hbm>>) target(%arg17 : memref<256x128xf32, #tpu.memory_space<vmem>>) offsets(%arg11 : memref<256xi32, #tpu.memory_space<vmem>>) semaphore(%arg20 : memref<!tpu.dma_semaphore, #tpu.memory_space<semaphore_mem>>)
    %dma_start3A_44 = arith.constant 0 : i32
    %dma_start3A_45 = arith.constant 0 : i32
    %dma_start3A_46 = tpu.memref_slice %arg2[%dma_start3A_44, %dma_start3A_45] : memref<100000x128xf32, #tpu.memory_space<hbm>> -> memref<100000x128xf32, #tpu.memory_space<hbm>>
    tpu.enqueue_indirect_dma source(%dma_start3A_46 : memref<100000x128xf32, #tpu.memory_space<hbm>>) target(%arg18 : memref<256x128xf32, #tpu.memory_space<vmem>>) offsets(%arg12 : memref<256xi32, #tpu.memory_space<vmem>>) semaphore(%arg21 : memref<!tpu.dma_semaphore, #tpu.memory_space<semaphore_mem>>)
    %dma_start3A_47 = arith.constant 0 : i32
    %dma_start3A_48 = arith.constant 0 : i32
    %dma_start3A_49 = tpu.memref_slice %arg3[%dma_start3A_47, %dma_start3A_48] : memref<100000x128xf32, #tpu.memory_space<hbm>> -> memref<100000x128xf32, #tpu.memory_space<hbm>>
    tpu.enqueue_indirect_dma source(%dma_start3A_49 : memref<100000x128xf32, #tpu.memory_space<hbm>>) target(%arg19 : memref<256x128xf32, #tpu.memory_space<vmem>>) offsets(%arg13 : memref<256xi32, #tpu.memory_space<vmem>>) semaphore(%arg22 : memref<!tpu.dma_semaphore, #tpu.memory_space<semaphore_mem>>)
    %dma_wait3A_50 = arith.constant 0 : i32
    %dma_wait3A_51 = arith.constant 0 : i32
    %dma_wait3A_52 = tpu.memref_slice %arg2[%dma_wait3A_50, %dma_wait3A_51] : memref<100000x128xf32, #tpu.memory_space<hbm>> -> memref<100000x128xf32, #tpu.memory_space<hbm>>
    tpu.wait_indirect_dma semaphore(%arg20 : memref<!tpu.dma_semaphore, #tpu.memory_space<semaphore_mem>>) src(%dma_wait3A_52 : memref<100000x128xf32, #tpu.memory_space<hbm>>) dst(%arg17 : memref<256x128xf32, #tpu.memory_space<vmem>>)
    %add3A_53 = arith.constant 0 : i32
    %add3A_54 = arith.addi %mul3A_2, %add3A_53 : i32
    %dma_start3A_55 = arith.constant 0 : i32
    %dma_start3A_56 = tpu.memref_slice %arg8[%add3A_54, %dma_start3A_55] : memref<16384x128xf32, #tpu.memory_space<hbm>> -> memref<256x128xf32, #tpu.memory_space<hbm>>
    %dma_start3A_57 = arith.constant 0 : i32
    %dma_start3A_58 = tpu.memref_slice %arg8[%add3A_54, %dma_start3A_57] : memref<16384x128xf32, #tpu.memory_space<hbm>> -> memref<256x128xf32, #tpu.memory_space<hbm>>
    tpu.enqueue_dma source(%arg17 : memref<256x128xf32, #tpu.memory_space<vmem>>) target(%dma_start3A_58 : memref<256x128xf32, #tpu.memory_space<hbm>>) target_semaphore(%arg23 : memref<!tpu.dma_semaphore, #tpu.memory_space<semaphore_mem>>)
    %dma_wait3A_59 = arith.constant 0 : i32
    %dma_wait3A_60 = tpu.memref_slice %arg8[%add3A_54, %dma_wait3A_59] : memref<16384x128xf32, #tpu.memory_space<hbm>> -> memref<256x128xf32, #tpu.memory_space<hbm>>
    %dma_wait3A_61 = arith.constant 0 : i32
    %dma_wait3A_62 = tpu.memref_slice %arg8[%add3A_54, %dma_wait3A_61] : memref<16384x128xf32, #tpu.memory_space<hbm>> -> memref<256x128xf32, #tpu.memory_space<hbm>>
    tpu.wait_dma2 semaphore(%arg23 : memref<!tpu.dma_semaphore, #tpu.memory_space<semaphore_mem>>) src(%arg17 : memref<256x128xf32, #tpu.memory_space<vmem>>) dst(%dma_wait3A_62 : memref<256x128xf32, #tpu.memory_space<hbm>>)
    %dma_start3A_63 = arith.constant 0 : i32
    %dma_start3A_64 = arith.constant 0 : i32
    %dma_start3A_65 = tpu.memref_slice %arg3[%dma_start3A_63, %dma_start3A_64] : memref<100000x128xf32, #tpu.memory_space<hbm>> -> memref<100000x128xf32, #tpu.memory_space<hbm>>
    tpu.enqueue_indirect_dma source(%dma_start3A_65 : memref<100000x128xf32, #tpu.memory_space<hbm>>) target(%arg17 : memref<256x128xf32, #tpu.memory_space<vmem>>) offsets(%arg14 : memref<256xi32, #tpu.memory_space<vmem>>) semaphore(%arg20 : memref<!tpu.dma_semaphore, #tpu.memory_space<semaphore_mem>>)
    %dma_wait3A_66 = arith.constant 0 : i32
    %dma_wait3A_67 = arith.constant 0 : i32
    %dma_wait3A_68 = tpu.memref_slice %arg2[%dma_wait3A_66, %dma_wait3A_67] : memref<100000x128xf32, #tpu.memory_space<hbm>> -> memref<100000x128xf32, #tpu.memory_space<hbm>>
    tpu.wait_indirect_dma semaphore(%arg21 : memref<!tpu.dma_semaphore, #tpu.memory_space<semaphore_mem>>) src(%dma_wait3A_68 : memref<100000x128xf32, #tpu.memory_space<hbm>>) dst(%arg18 : memref<256x128xf32, #tpu.memory_space<vmem>>)
    %add3A_69 = arith.constant 256 : i32
    %add3A_70 = arith.addi %mul3A_2, %add3A_69 : i32
    %dma_start3A_71 = arith.constant 0 : i32
    %dma_start3A_72 = tpu.memref_slice %arg8[%add3A_70, %dma_start3A_71] : memref<16384x128xf32, #tpu.memory_space<hbm>> -> memref<256x128xf32, #tpu.memory_space<hbm>>
    %dma_start3A_73 = arith.constant 0 : i32
    %dma_start3A_74 = tpu.memref_slice %arg8[%add3A_70, %dma_start3A_73] : memref<16384x128xf32, #tpu.memory_space<hbm>> -> memref<256x128xf32, #tpu.memory_space<hbm>>
    tpu.enqueue_dma source(%arg18 : memref<256x128xf32, #tpu.memory_space<vmem>>) target(%dma_start3A_74 : memref<256x128xf32, #tpu.memory_space<hbm>>) target_semaphore(%arg24 : memref<!tpu.dma_semaphore, #tpu.memory_space<semaphore_mem>>)
    %dma_wait3A_75 = arith.constant 0 : i32
    %dma_wait3A_76 = tpu.memref_slice %arg8[%add3A_70, %dma_wait3A_75] : memref<16384x128xf32, #tpu.memory_space<hbm>> -> memref<256x128xf32, #tpu.memory_space<hbm>>
    %dma_wait3A_77 = arith.constant 0 : i32
    %dma_wait3A_78 = tpu.memref_slice %arg8[%add3A_70, %dma_wait3A_77] : memref<16384x128xf32, #tpu.memory_space<hbm>> -> memref<256x128xf32, #tpu.memory_space<hbm>>
    tpu.wait_dma2 semaphore(%arg24 : memref<!tpu.dma_semaphore, #tpu.memory_space<semaphore_mem>>) src(%arg18 : memref<256x128xf32, #tpu.memory_space<vmem>>) dst(%dma_wait3A_78 : memref<256x128xf32, #tpu.memory_space<hbm>>)
    %dma_start3A_79 = arith.constant 0 : i32
    %dma_start3A_80 = arith.constant 0 : i32
    %dma_start3A_81 = tpu.memref_slice %arg4[%dma_start3A_79, %dma_start3A_80] : memref<100000x128xf32, #tpu.memory_space<hbm>> -> memref<100000x128xf32, #tpu.memory_space<hbm>>
    tpu.enqueue_indirect_dma source(%dma_start3A_81 : memref<100000x128xf32, #tpu.memory_space<hbm>>) target(%arg18 : memref<256x128xf32, #tpu.memory_space<vmem>>) offsets(%arg15 : memref<256xi32, #tpu.memory_space<vmem>>) semaphore(%arg21 : memref<!tpu.dma_semaphore, #tpu.memory_space<semaphore_mem>>)
    %dma_wait3A_82 = arith.constant 0 : i32
    %dma_wait3A_83 = arith.constant 0 : i32
    %dma_wait3A_84 = tpu.memref_slice %arg3[%dma_wait3A_82, %dma_wait3A_83] : memref<100000x128xf32, #tpu.memory_space<hbm>> -> memref<100000x128xf32, #tpu.memory_space<hbm>>
    tpu.wait_indirect_dma semaphore(%arg22 : memref<!tpu.dma_semaphore, #tpu.memory_space<semaphore_mem>>) src(%dma_wait3A_84 : memref<100000x128xf32, #tpu.memory_space<hbm>>) dst(%arg19 : memref<256x128xf32, #tpu.memory_space<vmem>>)
    %add3A_85 = arith.constant 0 : i32
    %add3A_86 = arith.addi %mul3A_2, %add3A_85 : i32
    %dma_start3A_87 = arith.constant 0 : i32
    %dma_start3A_88 = tpu.memref_slice %arg9[%add3A_86, %dma_start3A_87] : memref<16384x128xf32, #tpu.memory_space<hbm>> -> memref<256x128xf32, #tpu.memory_space<hbm>>
    %dma_start3A_89 = arith.constant 0 : i32
    %dma_start3A_90 = tpu.memref_slice %arg9[%add3A_86, %dma_start3A_89] : memref<16384x128xf32, #tpu.memory_space<hbm>> -> memref<256x128xf32, #tpu.memory_space<hbm>>
    tpu.enqueue_dma source(%arg19 : memref<256x128xf32, #tpu.memory_space<vmem>>) target(%dma_start3A_90 : memref<256x128xf32, #tpu.memory_space<hbm>>) target_semaphore(%arg25 : memref<!tpu.dma_semaphore, #tpu.memory_space<semaphore_mem>>)
    %dma_wait3A_91 = arith.constant 0 : i32
    %dma_wait3A_92 = tpu.memref_slice %arg9[%add3A_86, %dma_wait3A_91] : memref<16384x128xf32, #tpu.memory_space<hbm>> -> memref<256x128xf32, #tpu.memory_space<hbm>>
    %dma_wait3A_93 = arith.constant 0 : i32
    %dma_wait3A_94 = tpu.memref_slice %arg9[%add3A_86, %dma_wait3A_93] : memref<16384x128xf32, #tpu.memory_space<hbm>> -> memref<256x128xf32, #tpu.memory_space<hbm>>
    tpu.wait_dma2 semaphore(%arg25 : memref<!tpu.dma_semaphore, #tpu.memory_space<semaphore_mem>>) src(%arg19 : memref<256x128xf32, #tpu.memory_space<vmem>>) dst(%dma_wait3A_94 : memref<256x128xf32, #tpu.memory_space<hbm>>)
    %dma_start3A_95 = arith.constant 0 : i32
    %dma_start3A_96 = arith.constant 0 : i32
    %dma_start3A_97 = tpu.memref_slice %arg4[%dma_start3A_95, %dma_start3A_96] : memref<100000x128xf32, #tpu.memory_space<hbm>> -> memref<100000x128xf32, #tpu.memory_space<hbm>>
    tpu.enqueue_indirect_dma source(%dma_start3A_97 : memref<100000x128xf32, #tpu.memory_space<hbm>>) target(%arg19 : memref<256x128xf32, #tpu.memory_space<vmem>>) offsets(%arg16 : memref<256xi32, #tpu.memory_space<vmem>>) semaphore(%arg22 : memref<!tpu.dma_semaphore, #tpu.memory_space<semaphore_mem>>)
    %dma_wait3A_98 = arith.constant 0 : i32
    %dma_wait3A_99 = arith.constant 0 : i32
    %dma_wait3A_100 = tpu.memref_slice %arg3[%dma_wait3A_98, %dma_wait3A_99] : memref<100000x128xf32, #tpu.memory_space<hbm>> -> memref<100000x128xf32, #tpu.memory_space<hbm>>
    tpu.wait_indirect_dma semaphore(%arg20 : memref<!tpu.dma_semaphore, #tpu.memory_space<semaphore_mem>>) src(%dma_wait3A_100 : memref<100000x128xf32, #tpu.memory_space<hbm>>) dst(%arg17 : memref<256x128xf32, #tpu.memory_space<vmem>>)
    %add3A_101 = arith.constant 256 : i32
    %add3A_102 = arith.addi %mul3A_2, %add3A_101 : i32
    %dma_start3A_103 = arith.constant 0 : i32
    %dma_start3A_104 = tpu.memref_slice %arg9[%add3A_102, %dma_start3A_103] : memref<16384x128xf32, #tpu.memory_space<hbm>> -> memref<256x128xf32, #tpu.memory_space<hbm>>
    %dma_start3A_105 = arith.constant 0 : i32
    %dma_start3A_106 = tpu.memref_slice %arg9[%add3A_102, %dma_start3A_105] : memref<16384x128xf32, #tpu.memory_space<hbm>> -> memref<256x128xf32, #tpu.memory_space<hbm>>
    tpu.enqueue_dma source(%arg17 : memref<256x128xf32, #tpu.memory_space<vmem>>) target(%dma_start3A_106 : memref<256x128xf32, #tpu.memory_space<hbm>>) target_semaphore(%arg23 : memref<!tpu.dma_semaphore, #tpu.memory_space<semaphore_mem>>)
    %dma_wait3A_107 = arith.constant 0 : i32
    %dma_wait3A_108 = arith.constant 0 : i32
    %dma_wait3A_109 = tpu.memref_slice %arg4[%dma_wait3A_107, %dma_wait3A_108] : memref<100000x128xf32, #tpu.memory_space<hbm>> -> memref<100000x128xf32, #tpu.memory_space<hbm>>
    tpu.wait_indirect_dma semaphore(%arg21 : memref<!tpu.dma_semaphore, #tpu.memory_space<semaphore_mem>>) src(%dma_wait3A_109 : memref<100000x128xf32, #tpu.memory_space<hbm>>) dst(%arg18 : memref<256x128xf32, #tpu.memory_space<vmem>>)
    %add3A_110 = arith.constant 0 : i32
    %add3A_111 = arith.addi %mul3A_2, %add3A_110 : i32
    %dma_start3A_112 = arith.constant 0 : i32
    %dma_start3A_113 = tpu.memref_slice %arg10[%add3A_111, %dma_start3A_112] : memref<16384x128xf32, #tpu.memory_space<hbm>> -> memref<256x128xf32, #tpu.memory_space<hbm>>
    %dma_start3A_114 = arith.constant 0 : i32
    %dma_start3A_115 = tpu.memref_slice %arg10[%add3A_111, %dma_start3A_114] : memref<16384x128xf32, #tpu.memory_space<hbm>> -> memref<256x128xf32, #tpu.memory_space<hbm>>
    tpu.enqueue_dma source(%arg18 : memref<256x128xf32, #tpu.memory_space<vmem>>) target(%dma_start3A_115 : memref<256x128xf32, #tpu.memory_space<hbm>>) target_semaphore(%arg24 : memref<!tpu.dma_semaphore, #tpu.memory_space<semaphore_mem>>)
    %dma_wait3A_116 = arith.constant 0 : i32
    %dma_wait3A_117 = arith.constant 0 : i32
    %dma_wait3A_118 = tpu.memref_slice %arg4[%dma_wait3A_116, %dma_wait3A_117] : memref<100000x128xf32, #tpu.memory_space<hbm>> -> memref<100000x128xf32, #tpu.memory_space<hbm>>
    tpu.wait_indirect_dma semaphore(%arg22 : memref<!tpu.dma_semaphore, #tpu.memory_space<semaphore_mem>>) src(%dma_wait3A_118 : memref<100000x128xf32, #tpu.memory_space<hbm>>) dst(%arg19 : memref<256x128xf32, #tpu.memory_space<vmem>>)
    %add3A_119 = arith.constant 256 : i32
    %add3A_120 = arith.addi %mul3A_2, %add3A_119 : i32
    %dma_start3A_121 = arith.constant 0 : i32
    %dma_start3A_122 = tpu.memref_slice %arg10[%add3A_120, %dma_start3A_121] : memref<16384x128xf32, #tpu.memory_space<hbm>> -> memref<256x128xf32, #tpu.memory_space<hbm>>
    %dma_start3A_123 = arith.constant 0 : i32
    %dma_start3A_124 = tpu.memref_slice %arg10[%add3A_120, %dma_start3A_123] : memref<16384x128xf32, #tpu.memory_space<hbm>> -> memref<256x128xf32, #tpu.memory_space<hbm>>
    tpu.enqueue_dma source(%arg19 : memref<256x128xf32, #tpu.memory_space<vmem>>) target(%dma_start3A_124 : memref<256x128xf32, #tpu.memory_space<hbm>>) target_semaphore(%arg25 : memref<!tpu.dma_semaphore, #tpu.memory_space<semaphore_mem>>)
    %dma_wait3A_125 = arith.constant 0 : i32
    %dma_wait3A_126 = tpu.memref_slice %arg9[%add3A_102, %dma_wait3A_125] : memref<16384x128xf32, #tpu.memory_space<hbm>> -> memref<256x128xf32, #tpu.memory_space<hbm>>
    %dma_wait3A_127 = arith.constant 0 : i32
    %dma_wait3A_128 = tpu.memref_slice %arg9[%add3A_102, %dma_wait3A_127] : memref<16384x128xf32, #tpu.memory_space<hbm>> -> memref<256x128xf32, #tpu.memory_space<hbm>>
    tpu.wait_dma2 semaphore(%arg23 : memref<!tpu.dma_semaphore, #tpu.memory_space<semaphore_mem>>) src(%arg17 : memref<256x128xf32, #tpu.memory_space<vmem>>) dst(%dma_wait3A_128 : memref<256x128xf32, #tpu.memory_space<hbm>>)
    %dma_wait3A_129 = arith.constant 0 : i32
    %dma_wait3A_130 = tpu.memref_slice %arg10[%add3A_111, %dma_wait3A_129] : memref<16384x128xf32, #tpu.memory_space<hbm>> -> memref<256x128xf32, #tpu.memory_space<hbm>>
    %dma_wait3A_131 = arith.constant 0 : i32
    %dma_wait3A_132 = tpu.memref_slice %arg10[%add3A_111, %dma_wait3A_131] : memref<16384x128xf32, #tpu.memory_space<hbm>> -> memref<256x128xf32, #tpu.memory_space<hbm>>
    tpu.wait_dma2 semaphore(%arg24 : memref<!tpu.dma_semaphore, #tpu.memory_space<semaphore_mem>>) src(%arg18 : memref<256x128xf32, #tpu.memory_space<vmem>>) dst(%dma_wait3A_132 : memref<256x128xf32, #tpu.memory_space<hbm>>)
    %dma_wait3A_133 = arith.constant 0 : i32
    %dma_wait3A_134 = tpu.memref_slice %arg10[%add3A_120, %dma_wait3A_133] : memref<16384x128xf32, #tpu.memory_space<hbm>> -> memref<256x128xf32, #tpu.memory_space<hbm>>
    %dma_wait3A_135 = arith.constant 0 : i32
    %dma_wait3A_136 = tpu.memref_slice %arg10[%add3A_120, %dma_wait3A_135] : memref<16384x128xf32, #tpu.memory_space<hbm>> -> memref<256x128xf32, #tpu.memory_space<hbm>>
    tpu.wait_dma2 semaphore(%arg25 : memref<!tpu.dma_semaphore, #tpu.memory_space<semaphore_mem>>) src(%arg19 : memref<256x128xf32, #tpu.memory_space<vmem>>) dst(%dma_wait3A_136 : memref<256x128xf32, #tpu.memory_space<hbm>>)
    return
  }
}

module attributes {stable_mosaic.version = 14 : i64} {
  func.func @_tc_body(%arg0: i32, %arg1: memref<8192x128xf32, #tpu.memory_space<vmem>>, %arg2: memref<8192x128xf32, #tpu.memory_space<vmem>>, %arg3: memref<8192x128xf32, #tpu.memory_space<vmem>>, %arg4: memref<128x128xf32, #tpu.memory_space<vmem>>, %arg5: memref<128x128xf32, #tpu.memory_space<vmem>>, %arg6: memref<128x128xf32, #tpu.memory_space<vmem>>, %arg7: memref<1x128xf32, #tpu.memory_space<vmem>>, %arg8: memref<8192x128xf32, #tpu.memory_space<vmem>>) attributes {dimension_semantics = [#tpu.dimension_semantics<arbitrary>], iteration_bounds = array<i64: 2>, scalar_prefetch = 0 : i64, scratch_operands = 0 : i64, tpu.core_type = #tpu.core_type<tc>, window_params = [{transform_indices = @transform_0, window_bounds = array<i64: 8192, 128>}, {transform_indices = @transform_1, window_bounds = array<i64: 8192, 128>}, {transform_indices = @transform_2, window_bounds = array<i64: 8192, 128>}, {pipeline_mode = #tpu.pipeline_mode<synchronous>, transform_indices = @transform_3, window_bounds = array<i64: 128, 128>}, {pipeline_mode = #tpu.pipeline_mode<synchronous>, transform_indices = @transform_4, window_bounds = array<i64: 128, 128>}, {pipeline_mode = #tpu.pipeline_mode<synchronous>, transform_indices = @transform_5, window_bounds = array<i64: 128, 128>}, {pipeline_mode = #tpu.pipeline_mode<synchronous>, transform_indices = @transform_6, window_bounds = array<i64: 1, 128>}, {transform_indices = @transform_7, window_bounds = array<i64: 8192, 128>}]} {
    %get3A = arith.constant 0 : index
    %get3A_0 = arith.constant 0 : index
    %get3A_1 = vector.load %arg1[%get3A, %get3A_0] : memref<8192x128xf32, #tpu.memory_space<vmem>>, vector<8192x128xf32>
    %get3A_2 = arith.constant 0 : index
    %get3A_3 = arith.constant 0 : index
    %get3A_4 = vector.load %arg4[%get3A_2, %get3A_3] : memref<128x128xf32, #tpu.memory_space<vmem>>, vector<128x128xf32>
    %dot_general3A = arith.constant dense<0.000000e+00> : vector<8192x128xf32>
    %dot_general3A_5 = tpu.matmul %get3A_1, %get3A_4, %dot_general3A {dimension_numbers = #tpu.dot_dimension_numbers<[1], [0], [0], [1], [0, 0, 1, 1], [], []>, transpose_lhs_hint = false} : vector<8192x128xf32>, vector<128x128xf32>, vector<8192x128xf32> -> vector<8192x128xf32>
    %get3A_6 = arith.constant 0 : index
    %get3A_7 = arith.constant 0 : index
    %get3A_8 = vector.load %arg2[%get3A_6, %get3A_7] : memref<8192x128xf32, #tpu.memory_space<vmem>>, vector<8192x128xf32>
    %get3A_9 = arith.constant 0 : index
    %get3A_10 = arith.constant 0 : index
    %get3A_11 = vector.load %arg5[%get3A_9, %get3A_10] : memref<128x128xf32, #tpu.memory_space<vmem>>, vector<128x128xf32>
    %dot_general3A_12 = arith.constant dense<0.000000e+00> : vector<8192x128xf32>
    %dot_general3A_13 = tpu.matmul %get3A_8, %get3A_11, %dot_general3A_12 {dimension_numbers = #tpu.dot_dimension_numbers<[1], [0], [0], [1], [0, 0, 1, 1], [], []>, transpose_lhs_hint = false} : vector<8192x128xf32>, vector<128x128xf32>, vector<8192x128xf32> -> vector<8192x128xf32>
    %add3A = arith.addf %dot_general3A_5, %dot_general3A_13 : vector<8192x128xf32>
    %get3A_14 = arith.constant 0 : index
    %get3A_15 = arith.constant 0 : index
    %get3A_16 = vector.load %arg3[%get3A_14, %get3A_15] : memref<8192x128xf32, #tpu.memory_space<vmem>>, vector<8192x128xf32>
    %get3A_17 = arith.constant 0 : index
    %get3A_18 = arith.constant 0 : index
    %get3A_19 = vector.load %arg6[%get3A_17, %get3A_18] : memref<128x128xf32, #tpu.memory_space<vmem>>, vector<128x128xf32>
    %dot_general3A_20 = arith.constant dense<0.000000e+00> : vector<8192x128xf32>
    %dot_general3A_21 = tpu.matmul %get3A_16, %get3A_19, %dot_general3A_20 {dimension_numbers = #tpu.dot_dimension_numbers<[1], [0], [0], [1], [0, 0, 1, 1], [], []>, transpose_lhs_hint = false} : vector<8192x128xf32>, vector<128x128xf32>, vector<8192x128xf32> -> vector<8192x128xf32>
    %add3A_22 = arith.addf %add3A, %dot_general3A_21 : vector<8192x128xf32>
    %get3A_23 = arith.constant 0 : index
    %get3A_24 = arith.constant 0 : index
    %get3A_25 = vector.load %arg7[%get3A_23, %get3A_24] : memref<1x128xf32, #tpu.memory_space<vmem>>, vector<1x128xf32>
    %add3A_26 = vector.broadcast %get3A_25 : vector<1x128xf32> to vector<8192x128xf32>
    %add3A_27 = arith.addf %add3A_22, %add3A_26 : vector<8192x128xf32>
    %swap3A = arith.constant 0 : index
    %swap3A_28 = arith.constant 0 : index
    %swap3A_29 = vector.load %arg8[%swap3A, %swap3A_28] : memref<8192x128xf32, #tpu.memory_space<vmem>>, vector<8192x128xf32>
    tpu.vector_store %arg8[%swap3A, %swap3A_28], %add3A_27 {strides = array<i32>} : memref<8192x128xf32, #tpu.memory_space<vmem>>, vector<8192x128xf32>,
    return
  }
  func.func @transform_0(%arg0: i32) -> (i32, i32) {
    %c0_i32 = arith.constant 0 : i32
    %c0_i32_0 = arith.constant 0 : i32
    return %arg0, %c0_i32 : i32, i32
  }
  func.func @transform_1(%arg0: i32) -> (i32, i32) {
    %c0_i32 = arith.constant 0 : i32
    %c0_i32_0 = arith.constant 0 : i32
    return %arg0, %c0_i32 : i32, i32
  }
  func.func @transform_2(%arg0: i32) -> (i32, i32) {
    %c0_i32 = arith.constant 0 : i32
    %c0_i32_0 = arith.constant 0 : i32
    return %arg0, %c0_i32 : i32, i32
  }
  func.func @transform_3(%arg0: i32) -> (i32, i32) {
    %c0_i32 = arith.constant 0 : i32
    %c0_i32_0 = arith.constant 0 : i32
    %c0_i32_1 = arith.constant 0 : i32
    return %c0_i32, %c0_i32_0 : i32, i32
  }
  func.func @transform_4(%arg0: i32) -> (i32, i32) {
    %c0_i32 = arith.constant 0 : i32
    %c0_i32_0 = arith.constant 0 : i32
    %c0_i32_1 = arith.constant 0 : i32
    return %c0_i32, %c0_i32_0 : i32, i32
  }
  func.func @transform_5(%arg0: i32) -> (i32, i32) {
    %c0_i32 = arith.constant 0 : i32
    %c0_i32_0 = arith.constant 0 : i32
    %c0_i32_1 = arith.constant 0 : i32
    return %c0_i32, %c0_i32_0 : i32, i32
  }
  func.func @transform_6(%arg0: i32) -> (i32, i32) {
    %c0_i32 = arith.constant 0 : i32
    %c0_i32_0 = arith.constant 0 : i32
    %c0_i32_1 = arith.constant 0 : i32
    return %c0_i32, %c0_i32_0 : i32, i32
  }
  func.func @transform_7(%arg0: i32) -> (i32, i32) {
    %add3A = arith.constant 0 : i32
    %add3A_0 = arith.addi %add3A, %arg0 : i32
    %c0_i32 = arith.constant 0 : i32
    %c0_i32_1 = arith.constant 0 : i32
    return %add3A_0, %c0_i32 : i32, i32
  }
}

</mosaic_0001>

<sc_bundles>
// kernel: kernel.4.cloned.1.call-start
scs
__scs_entry_jumppad:
0x0: {  	(pc) =	sbr.rel $0x88, $3  }
0x1: {  	(tag) =	ssettag $0x0;
	lr =	simm.s32 $0x1  }
0x2: {  	[smem:$0x3F95] =	sst lr;
	_ =	strace $0xD0000000  }
0x3: {  	_ = 	snop  }
0x4: {  	_ = 	snop  }
0x5: {  	_ = 	snop  }
0x6: {  	_ = 	snop  }
0x7: {  	_ = 	snop  }
__scs_overlays_trampoline_lowered:
0x8: {  	[smem:$0x3FA4] =	sst s0  }
0x9: {  	[smem:$0x3FA5] =	sst s1  }
0xa: {  	[smem:$0x3FA6] =	sst s2  }
0xb: {  	[smem:$0x3FA7] =	sst s3  }
0xc: {  	[smem:$0x3FA8] =	sst s4  }
0xd: {  	[smem:$0x3FA9] =	sst s5  }
0xe: {  	[smem:$0x3FAA] =	sst s6  }
0xf: {  	[smem:$0x3FAB] =	sst s7  }
0x10: {  	[smem:$0x3FAC] =	sst s8  }
0x11: {  	[smem:$0x3FAD] =	sst s9;
	s0 =	simm.s32 @!p0 $0x0  }
0x12: {  	s1 =	sld [smem:$0x3F93];
	s0 =	simm.s32 @p0 $0x1  }
0x13: {  	[smem:$0x3FAE] =	sst s0;
	s0 =	simm.s32 @!p1 $0x0  }
0x14: {  	s2 =	sld [smem:$0x3F92];
	s0 =	simm.s32 @p1 $0x1  }
0x15: {  	[smem:$0x3FAF] =	sst s0;
	s0 =	simm.s32 @!p2 $0x0  }
0x16: {  	s3 =	sld [smem:$0x3FDB];
	s0 =	simm.s32 @p2 $0x1  }
0x17: {  	s4 =	simm.s32 $0x1BF5;
	[smem:$0x3FB1] =	sst s0  }
0x18: {  	s0 =	sld [smem:$0x3F94];
	_ =	swait.ge [sflag:s4], $0x0  }
0x19: {  	s7 =	sld [smem:$0x3F95]  }
0x1a: {  	s8 =	sadd.s32 $0xFFFFE003, lr  }
0x1b: {  	s9 =	sadd.s32 $0xFFFFFEF7, lr;
	s5 =	simm.s32 $0xFFFFFFFF;
	p2 =	slt.u32 s8, $0xFFFFF086  }
0x1c: {  	p1 =	slt.u32 s9, $0xF7A;
	s5 =	simm.s32 @!p2 $0x0  }
0x1d: {  	s5 =	simm.s32 @p1 $0x1;
	p0 =	seq.s32 s7, s2  }
0x1e: {  	s7 =	smul.u32 @!p0 $0xF7A, s2;
	p2 =	seq.s32 @!p0 s5, $0x0  }
0x1f: {  	s9 =	smul.u32 $0xF7A, s1;
	s8 =	simm.s32 @!p0 $0x1BF5;
	p2 =	por !p2, p0  }
0x20: {  	[sflag:s8] =	ssyncset.s32 @!p0 $0xFFFFF086;
	s6 =	sadd.s32 @!p0 s3, s7;
	s7 =	simm.s32 @!p0 $0x108  }
0x21: {  	s3 =	sadd.s32 s3, s9;
	s6 =	sadd.s32 @!p0 $0x88, s6;
	s7 =	simm.s32 @p2 $0x1082  }
0x22: {  	[simem:s7], [sflag:s8] =	dma.local @!p0 [hbm:s6], $0xF7A  }
0x23: {  	s9 =	sor.u32 $0xD0000000, s2;
	s6 =	simm.s32 $0x108;
	_ =	swait.ge @!p0 [sflag:s8], $0x0  }
0x24: {  	s3 =	sadd.s32 $0x88, s3;
	s6 =	simm.s32 @!p1 $0x1082;
	[sflag:s4] =	ssyncset.s32 $0xFFFFF086  }
0x25: {  	[simem:s6], [sflag:s4] =	dma.local [hbm:s3], $0xF7A  }
0x26: {  	[smem:$0x3F95] =	sst s1;
	(tag) =	ssettag s2;
	_ =	strace s9  }
0x27: {  	s1 =	sld [smem:$0x3FA5]  }
0x28: {  	s2 =	sld [smem:$0x3FA6]  }
0x29: {  	s4 =	sld [smem:$0x3FA8]  }
0x2a: {  	p0 =	seq.s32 s5, $0x0;
	s5 =	sld [smem:$0x3FA9]  }
0x2b: {  	s6 =	sld [smem:$0x3FAA]  }
0x2c: {  	s7 =	sld [smem:$0x3FAB]  }
0x2d: {  	s3 =	simm.s32 $0x108;
	s8 =	sld [smem:$0x3FAC]  }
0x2e: {  	s3 =	simm.s32 @!p0 $0x1082;
	s9 =	sld [smem:$0x3FAD]  }
0x2f: {  	lr =	sadd.s32 s0, s3;
	s0 =	sld [smem:$0x3FA4]  }
0x30: {  	s3 =	sld [smem:$0x3FA7]  }
0x31: {  	[smem:$0x3FB0] =	sst s10  }
0x32: {  	s10 =	sld [smem:$0x3FAE];
	_ =	sdelay $0x3  }
0x33: {  	p0 =	seq.s32 s10, $0x1;
	s10 =	sld [smem:$0x3FB0];
	_ =	sdelay $0x3  }
0x34: {  	[smem:$0x3FB0] =	sst s10  }
0x35: {  	s10 =	sld [smem:$0x3FAF];
	_ =	sdelay $0x3  }
0x36: {  	p1 =	seq.s32 s10, $0x1;
	s10 =	sld [smem:$0x3FB0];
	_ =	sdelay $0x3  }
0x37: {  	[smem:$0x3FB0] =	sst s10  }
0x38: {  	s10 =	sld [smem:$0x3FB1]  }
0x39: {  	_ = 	snop;
	(pc) =	sbr.ind lr, $3  }
0x3a: {  	_ = 	snop  }
0x3b: {  	_ = 	snop  }
0x3c: {  	p2 =	seq.s32 s10, $0x1;
	s10 =	sld [smem:$0x3FB0]  }
0x3d: {  	_ =	shalt  }
0x3e: {  	_ =	shalt  }
0x3f: {  	_ =	shalt  }
0x40: {  	_ =	shalt  }
0x41: {  	_ =	shalt  }
0x42: {  	_ =	shalt  }
0x43: {  	_ =	shalt  }
0x44: {  	_ =	shalt  }
0x45: {  	_ =	shalt  }
0x46: {  	_ =	shalt  }
0x47: {  	_ =	shalt  }
0x48: {  	_ =	shalt  }
0x49: {  	_ =	shalt  }
0x4a: {  	_ =	shalt  }
0x4b: {  	_ =	shalt  }
0x4c: {  	_ =	shalt  }
0x4d: {  	_ =	shalt  }
0x4e: {  	_ =	shalt  }
0x4f: {  	_ =	shalt  }
0x50: {  	_ =	shalt  }
0x51: {  	_ =	shalt  }
0x52: {  	_ =	shalt  }
0x53: {  	_ =	shalt  }
0x54: {  	_ =	shalt  }
0x55: {  	_ =	shalt  }
0x56: {  	_ =	shalt  }
0x57: {  	_ =	shalt  }
0x58: {  	_ =	shalt  }
0x59: {  	_ =	shalt  }
0x5a: {  	_ =	shalt  }
0x5b: {  	_ =	shalt  }
0x5c: {  	_ =	shalt  }
0x5d: {  	_ =	shalt  }
0x5e: {  	_ =	shalt  }
0x5f: {  	_ =	shalt  }
0x60: {  	_ =	shalt  }
0x61: {  	_ =	shalt  }
0x62: {  	_ =	shalt  }
0x63: {  	_ =	shalt  }
0x64: {  	_ =	shalt  }
0x65: {  	_ =	shalt  }
0x66: {  	_ =	shalt  }
0x67: {  	_ =	shalt  }
0x68: {  	_ =	shalt  }
0x69: {  	_ =	shalt  }
0x6a: {  	_ =	shalt  }
0x6b: {  	_ =	shalt  }
0x6c: {  	_ =	shalt  }
0x6d: {  	_ =	shalt  }
0x6e: {  	_ =	shalt  }
0x6f: {  	_ =	shalt  }
0x70: {  	_ =	shalt  }
0x71: {  	_ =	shalt  }
0x72: {  	_ =	shalt  }
0x73: {  	_ =	shalt  }
0x74: {  	_ =	shalt  }
0x75: {  	_ =	shalt  }
0x76: {  	_ =	shalt  }
0x77: {  	_ =	shalt  }
0x78: {  	_ =	shalt  }
0x79: {  	_ =	shalt  }
0x7a: {  	_ =	shalt  }
0x7b: {  	_ =	shalt  }
0x7c: {  	_ =	shalt  }
0x7d: {  	_ =	shalt  }
0x7e: {  	_ =	shalt  }
0x7f: {  	_ =	shalt  }
0x80: {  	_ =	shalt  }
0x81: {  	_ =	shalt  }
0x82: {  	_ =	shalt  }
0x83: {  	_ =	shalt  }
0x84: {  	_ =	shalt  }
0x85: {  	_ =	shalt  }
0x86: {  	_ =	shalt  }
0x87: {  	_ =	shalt  }
.Lfunc_end0:
.L_simem_size_0:
called_computation_lowered:
.L_overlay_start_0:
0x88: {  	s2 =	sld [smem:$0x3FD9]  }
0x89: {  	s3 =	sld [smem:$0x3FFE];
	_ =	sdelay $0x1  }
0x8a: {  	s1 =	srdreg.scid  }
0x8b: {  	s0 =	sand.u32 $0x1, s1  }
0x8c: {  	s17 =	sshll.u32 s0, $0xA;
	s2 =	sadd.s32 s3, s2  }
0x8d: {  	s2 =	sadd.s32 s2, s17  }
0x8e: {  	[smem:$0x3FBC] =	sst s2  }
0x8f: {  	_ = 	snop  }
0x90: {  	s2 =	sld [smem:$0x3FC9]  }
0x91: {  	s18 =	sld [smem:$0x3FC8]  }
0x92: {  	s4 =	sld [smem:$0x3FC7]  }
0x93: {  	s5 =	sld [smem:$0x3FC6]  }
0x94: {  	s6 =	sld [smem:$0x3FC5]  }
0x95: {  	s7 =	sld [smem:$0x3FC4]  }
0x96: {  	s8 =	sld [smem:$0x3FD0];
	(tm) =	ssettm $0x1  }
0x97: {  	s9 =	sld [smem:$0x3FFB];
	_ =	sdelay $0x3  }
0x98: {  	_ =	strace s9  }
0x99: {  	s9 =	sld [smem:$0x3FFC];
	_ =	sdelay $0x3  }
0x9a: {  	_ =	strace s9  }
0x9b: {  	s9 =	sld [smem:$0x3FFD];
	_ =	sdelay $0x3  }
0x9c: {  	_ =	strace s9  }
0x9d: {  	_ =	strace $0x8FFFFFFF  }
0x9e: {  	s19 =	sld [smem:$0x3FDB];
	_ =	sdelay $0x1  }
0x9f: {  	s10 =	simm.s32 $_scs_section_size  }
0xa0: {  	s11 =	simm.s32 $_size__tile_overlayer_lowered;
	s12 =	simm.s32 $_tile_overlayer_lowered  }
0xa1: {  	s22 =	simm.s32 $0x1BFF;
	s21 =	sshll.u32 s12, $0x1;
	s9 =	sadd.s32 s10, s19  }
0xa2: {  	s13 =	simm.s32 $0x0;
	s20 =	sshll.u32 s11, $0x1;
	s11 =	sadd.s32 s21, s9  }
0xa3: {  	[timem:s13], [sflag:s22] =	dma.local [hbm:s11], s20  }
0xa4: {  	_ =	swait.ge [sflag:s22], s20  }
0xa5: {  	s10 =	ssub.s32 $0x0, s20;
	[sflag:s22] =	ssyncset.done $0x0  }
0xa6: {  	[sflag:s22] =	ssyncadd.s32 s10;
	_ =	sdelay $0x1  }
0xa7: {  	s23 =	simm.s32 $0x1B8B  }
0xa8: {  	_ =	swait.ge [sflag:s23], $0x1  }
0xa9: {  	[sflag:s23] =	ssyncset.done $0x0  }
0xaa: {  	s25 =	simm.s32 $0x1B8E;
	s24 =	sld [smem:$0x3FFE];
	[sflag:s23] =	ssyncadd.s32 $0xFFFFFFFF  }
0xab: {  	s26 =	simm.s32 $execute0_lowered;
	[smem:$0x3FD2] =	sst s25  }
0xac: {  	s11 =	sshll.u32 s26, $0x1;
	_ =	strace $0x80000046;
	[dreg:$0x1] =	wrdreg $0xFFFFFFFF  }
0xad: {  	s28 =	simm.s32 $_size_execute0_lowered;
	s9 =	sadd.s32 s9, s11;
	[dreg:$0x0] =	wrdreg $0x0  }
0xae: {  	s11 =	sshll.u32 s28, $0x1;
	[dreg:$0x2] =	wrdreg s9  }
0xaf: {  	[dreg:$0x3] =	wrdreg s11  }
0xb0: {  	[dreg:$0x4] =	wrdreg $0xC0  }
0xb1: {  	_ =	task [dreg:s13], $0x5FFFF  }
0xb2: {  	[dreg:$0x1] =	wrdreg $0xFFFFFFFF  }
0xb3: {  	[dreg:$0x0] =	wrdreg $0x60  }
0xb4: {  	[dreg:$0x2] =	wrdreg s5  }
0xb5: {  	[dreg:$0x3] =	wrdreg s6  }
0xb6: {  	[dreg:$0x4] =	wrdreg s7  }
0xb7: {  	[dreg:$0x5] =	wrdreg s2  }
0xb8: {  	[dreg:$0x6] =	wrdreg s18  }
0xb9: {  	[dreg:$0x7] =	wrdreg s4  }
0xba: {  	[dreg:$0x8] =	wrdreg s8  }
0xbb: {  	[dreg:$0x9] =	wrdreg s24  }
0xbc: {  	[dreg:$0xa] =	wrdreg $0x9  }
0xbd: {  	_ =	task.clear_ibuf [dreg:s13], $0xBFFFF;
	_ =	strace $0x90000046  }
0xbe: {  	s29 =	simm.s32 $0x9;
	_ =	strace $0x80000048  }
0xbf: {  	_ =	swait.ge [sflag:s29], $0x1  }
0xc0: {  	[sflag:s29] =	ssyncadd.s32 $0xFFFFFFFF  }
0xc1: {  	_ =	strace $0x90000048  }
0xc2: {  	_ =	sfence  }
0xc3: {  	s30 =	sld [smem:$0x0];
	_ =	sdelay $0x2  }
0xc4: {  	s31 =	sshll.u32 s1, $0xD;
	s1 =	sshrl.u32 s1, $0x2  }
0xc5: {  	s3 =	sand.u32 $0x4000, s31;
	s1 =	sadd.s32 s1, s30  }
0xc6: {  	s0 =	sor.u32 s3, s0;
	s1 =	sshll.u32 s1, $0x11  }
0xc7: {  	s0 =	sor.u32 s1, s0  }
0xc8: {  	s0 =	sadd.s32 $0x8F2B, s0  }
0xc9: {  	[sflag:s0] =	ssyncadd.remote.s32 $0x1  }
0xca: {  	_ =	sfence.sel $0xFFFF  }
0xcb: {  	[dreg:$0x0] =	wrdreg $0xFFFFFFFF;
	(pc) =	sbr.abs _section_cstart, $3  }
0xcc: {  	[dreg:$0x1] =	wrdreg $0xFFFFFFFF  }
0xcd: {  	_ =	task.clear_ibuf [dreg:s13], $0x2FFFF;
	_ =	strace $0x9FFFFFFF  }
0xce: {  	(tm) =	ssettm $0x7FFFFFFF  }
0xcf: {  	_ =	shalt  }
tec
execute0_lowered:
.L_overlay_start_1:
0x0: {  	(tag) =	ssettag $0x1  }
0x1: {  	s0 =	rddreg [dreg:$0x0]  }
0x2: {  	s1 =	rddreg [dreg:$0x1]  }
0x3: {  	s3 =	rddreg [dreg:$0x2]  }
0x4: {  	s6 =	rddreg [dreg:$0x3]  }
0x5: {  	s9 =	rddreg [dreg:$0x4];
	s4 =	srdreg.scid  }
0x6: {  	s13 =	rddreg [dreg:$0x5];
	s2 =	stileid.u32;
	s4 =	sand.u32 $0x1, s4  }
0x7: {  	s23 =	rddreg [dreg:$0x6];
	s7 =	sshll.u32 s2, $0xA;
	s8 =	sshll.u32 s4, $0x9  }
0x8: {  	s30 =	rddreg [dreg:$0x7];
	s5 =	simm.s32 $0x0;
	s20 =	sor.u32 s8, s7  }
0x9: {  	[smem:$0x7FF] =	sst s5;
	s11 =	sshrl.u32 s20, $0x3  }
0xa: {  	[dreg:$0xb] =	wrdreg s4;
	s24 =	sor.u32 $0x100, s20;
	s25 =	sadd.s32 s6, s11  }
0xb: {  	_ =	strace $0x80000047;
	s14 =	sshrl.u32 s24, $0x3;
	[dreg:$0x9] =	wrdreg s25  }
0xc: {  	s6 =	sadd.s32 s6, s14;
	s7 =	rddreg [dreg:$0x9]  }
0xd: {  	[dreg:$0xa] =	wrdreg s6  }
0xe: {  	[tilespmem:s5], [sflag:$0x7] =	stream.linear.gather [hbm4b:s7+s5], $0x100, $0x38;
	[tilespmem:$0x18600] =	vst v63  }
0xf: {  	s6 =	simm.s32 $0x100;
	s26 =	rddreg [dreg:$0xa]  }
0x10: {  	[tilespmem:s6], [sflag:$0x7] =	stream.linear.gather [hbm4b:s26+s5], $0x100, $0x38;
	[tilespmem:$0x18600] =	vst v63  }
0x11: {  	s8 =	simm.s32 $0x200;
	s7 =	sadd.s32 s9, s11  }
0x12: {  	[tilespmem:s8], [sflag:$0x7] =	stream.linear.gather [hbm4b:s7+s5], $0x100, $0x38;
	[tilespmem:$0x18600] =	vst v63  }
0x13: {  	s10 =	simm.s32 $0x300;
	s9 =	sadd.s32 s9, s14  }
0x14: {  	[tilespmem:s10], [sflag:$0x7] =	stream.linear.gather [hbm4b:s9+s5], $0x100, $0x38;
	[tilespmem:$0x18600] =	vst v63  }
0x15: {  	s12 =	simm.s32 $0x400;
	s11 =	sadd.s32 s13, s11  }
0x16: {  	[tilespmem:s12], [sflag:$0x7] =	stream.linear.gather [hbm4b:s11+s5], $0x100, $0x38;
	[tilespmem:$0x18600] =	vst v63  }
0x17: {  	s15 =	simm.s32 $0x7;
	s13 =	sadd.s32 s13, s14;
	s14 =	simm.s32 $0x500  }
0x18: {  	[tilespmem:s14], [sflag:$0x7] =	stream.linear.gather [hbm4b:s13+s5], $0x100, $0x38;
	[tilespmem:$0x18600] =	vst v63  }
0x19: {  	_ =	swait.ge [sflag:s15], $0x100  }
0x1a: {  	[sflag:s15] =	ssyncset.done $0x0  }
0x1b: {  	[sflag:s15] =	ssyncadd.s32 $0xFFFFFF00  }
0x1c: {  	_ =	swait.ge [sflag:s15], $0x100  }
0x1d: {  	[sflag:s15] =	ssyncset.done $0x0  }
0x1e: {  	[sflag:s15] =	ssyncadd.s32 $0xFFFFFF00  }
0x1f: {  	_ =	swait.ge [sflag:s15], $0x100  }
0x20: {  	[sflag:s15] =	ssyncset.done $0x0  }
0x21: {  	[sflag:s15] =	ssyncadd.s32 $0xFFFFFF00  }
0x22: {  	_ =	swait.ge [sflag:s15], $0x100  }
0x23: {  	[sflag:s15] =	ssyncset.done $0x0  }
0x24: {  	[sflag:s15] =	ssyncadd.s32 $0xFFFFFF00  }
0x25: {  	_ =	swait.ge [sflag:s15], $0x100  }
0x26: {  	[sflag:s15] =	ssyncset.done $0x0  }
0x27: {  	[sflag:s15] =	ssyncadd.s32 $0xFFFFFF00  }
0x28: {  	_ =	swait.ge [sflag:s15], $0x100  }
0x29: {  	[sflag:s15] =	ssyncset.done $0x0  }
0x2a: {  	s16 =	simm.s32 $0x600;
	[sflag:s15] =	ssyncadd.s32 $0xFFFFFF00  }
0x2b: {  	[tilespmem:s16], [sflag:$0x1] =	stream.indirect.gather [hbm4b:s0+s6], $0x80, s5, s6, $0xb8;
	[tilespmem:$0x18600] =	vst v63  }
0x2c: {  	s17 =	simm.s32 $0x8600  }
0x2d: {  	[tilespmem:s17], [sflag:$0x2] =	stream.indirect.gather [hbm4b:s0+s6], $0x80, s6, s6, $0xb8;
	[tilespmem:$0x18600] =	vst v63  }
0x2e: {  	s18 =	simm.s32 $0x10600;
	s19 =	simm.s32 $0x1  }
0x2f: {  	[tilespmem:s18], [sflag:$0x3] =	stream.indirect.gather [hbm4b:s1+s6], $0x80, s8, s6, $0xb8;
	[tilespmem:$0x18600] =	vst v63  }
0x30: {  	_ =	swait.ge [sflag:s19], $0x8000  }
0x31: {  	s31 =	sshll.u32 s20, $0x4;
	[sflag:s19] =	ssyncset.done $0x0  }
0x32: {  	s21 =	simm.s32 $0x4;
	s20 =	sadd.s32 s23, s31;
	[sflag:s19] =	ssyncadd.s32 $0xFFFF8000  }
0x33: {  	[hbm4b:s20+s5] =	stream.linear.scatter [tilespmem:s16], [sflag:$0x4], $0x8000, $0x38;
	[tilespmem:$0x18600] =	vst v63  }
0x34: {  	_ =	swait.ge [sflag:s21], $0x8000  }
0x35: {  	[sflag:s21] =	ssyncset.done $0x0  }
0x36: {  	s22 =	simm.s32 $0x2;
	[sflag:s21] =	ssyncadd.s32 $0xFFFF8000  }
0x37: {  	[tilespmem:s16], [sflag:$0x1] =	stream.indirect.gather [hbm4b:s1+s6], $0x80, s10, s6, $0xb8;
	[tilespmem:$0x18600] =	vst v63  }
0x38: {  	_ =	swait.ge [sflag:s22], $0x8000  }
0x39: {  	s2 =	sshll.u32 s24, $0x4;
	[sflag:s22] =	ssyncset.done $0x0  }
0x3a: {  	s24 =	simm.s32 $0x5;
	s23 =	sadd.s32 s23, s2;
	[sflag:s22] =	ssyncadd.s32 $0xFFFF8000  }
0x3b: {  	[hbm4b:s23+s5] =	stream.linear.scatter [tilespmem:s17], [sflag:$0x5], $0x8000, $0x38;
	[tilespmem:$0x18600] =	vst v63  }
0x3c: {  	_ =	swait.ge [sflag:s24], $0x8000  }
0x3d: {  	[sflag:s24] =	ssyncset.done $0x0  }
0x3e: {  	s25 =	simm.s32 $0x3;
	[sflag:s24] =	ssyncadd.s32 $0xFFFF8000  }
0x3f: {  	[tilespmem:s17], [sflag:$0x2] =	stream.indirect.gather [hbm4b:s3+s6], $0x80, s12, s6, $0xb8;
	[tilespmem:$0x18600] =	vst v63  }
0x40: {  	_ =	swait.ge [sflag:s25], $0x8000  }
0x41: {  	s29 =	sadd.s32 $0x1800, s30;
	[sflag:s25] =	ssyncset.done $0x0  }
0x42: {  	s28 =	sadd.s32 s29, s31;
	s26 =	simm.s32 $0x6;
	[sflag:s25] =	ssyncadd.s32 $0xFFFF8000  }
0x43: {  	[hbm4b:s28+s5] =	stream.linear.scatter [tilespmem:s18], [sflag:$0x6], $0x8000, $0x38;
	[tilespmem:$0x18600] =	vst v63  }
0x44: {  	_ =	swait.ge [sflag:s26], $0x8000  }
0x45: {  	[sflag:s26] =	ssyncset.done $0x0  }
0x46: {  	[sflag:s26] =	ssyncadd.s32 $0xFFFF8000  }
0x47: {  	[tilespmem:s18], [sflag:$0x3] =	stream.indirect.gather [hbm4b:s3+s6], $0x80, s14, s6, $0xb8;
	[tilespmem:$0x18600] =	vst v63  }
0x48: {  	_ =	swait.ge [sflag:s19], $0x8000  }
0x49: {  	[sflag:s19] =	ssyncset.done $0x0  }
0x4a: {  	s29 =	sadd.s32 s29, s2;
	[sflag:s19] =	ssyncadd.s32 $0xFFFF8000  }
0x4b: {  	[hbm4b:s29+s5] =	stream.linear.scatter [tilespmem:s16], [sflag:$0x4], $0x8000, $0x38;
	[tilespmem:$0x18600] =	vst v63  }
0x4c: {  	_ =	swait.ge [sflag:s22], $0x8000  }
0x4d: {  	s0 =	sadd.s32 $0x41800, s30;
	[sflag:s22] =	ssyncset.done $0x0  }
0x4e: {  	s30 =	sadd.s32 s0, s31;
	[sflag:s22] =	ssyncadd.s32 $0xFFFF8000  }
0x4f: {  	[hbm4b:s30+s5] =	stream.linear.scatter [tilespmem:s17], [sflag:$0x5], $0x8000, $0x38;
	[tilespmem:$0x18600] =	vst v63  }
0x50: {  	_ =	swait.ge [sflag:s25], $0x8000  }
0x51: {  	[sflag:s25] =	ssyncset.done $0x0  }
0x52: {  	s31 =	sadd.s32 s0, s2;
	[sflag:s25] =	ssyncadd.s32 $0xFFFF8000  }
0x53: {  	[hbm4b:s31+s5] =	stream.linear.scatter [tilespmem:s18], [sflag:$0x6], $0x8000, $0x38;
	[tilespmem:$0x18600] =	vst v63  }
0x54: {  	_ =	swait.ge [sflag:s21], $0x8000  }
0x55: {  	s2 =	rddreg [dreg:$0xb]  }
0x56: {  	s4 =	ssub.s32 $0x2, s2  }
0x57: {  	s0 =	sshrl.u32 s4, $0x1  }
0x58: {  	s2 =	ssub.s32 s4, s0  }
0x59: {  	s2 =	smax.u32 s2, $0x1  }
0x5a: {  	[sflag:s21] =	ssyncset.done $0x0;
	p0 =	sne.s32 s2, $0x1  }
.Ltmp0:
0x5b: {  	[sflag:s21] =	ssyncadd.s32 $0xFFFF8000;
	(pc) =	sbr.rel @!p0 .LBB2_2-.Ltmp0, $4  }
0x5c: {  	_ =	swait.ge [sflag:s24], $0x8000  }
0x5d: {  	[sflag:s24] =	ssyncset.done $0x0  }
0x5e: {  	[sflag:s24] =	ssyncadd.s32 $0xFFFF8000  }
0x5f: {  	s4 =	sadd.s32 $0xFFFFFFFF, s2;
	_ =	swait.ge [sflag:s26], $0x8000  }
.LBB2_1:
0x60: {  	[sflag:s26] =	ssyncset.done $0x0  }
0x61: {  	s2 =	rddreg [dreg:$0x9];
	[sflag:s26] =	ssyncadd.s32 $0xFFFF8000  }
0x62: {  	[tilespmem:s5], [sflag:$0x7] =	stream.linear.gather [hbm4b:s2+s5], $0x100, $0x38;
	[tilespmem:$0x18600] =	vst v63  }
0x63: {  	s0 =	rddreg [dreg:$0xa]  }
0x64: {  	[tilespmem:s6], [sflag:$0x7] =	stream.linear.gather [hbm4b:s0+s5], $0x100, $0x38;
	[tilespmem:$0x18600] =	vst v63  }
0x65: {  	_ = 	snop  }
0x66: {  	[tilespmem:s8], [sflag:$0x7] =	stream.linear.gather [hbm4b:s7+s5], $0x100, $0x38;
	[tilespmem:$0x18600] =	vst v63  }
0x67: {  	_ = 	snop  }
0x68: {  	[tilespmem:s10], [sflag:$0x7] =	stream.linear.gather [hbm4b:s9+s5], $0x100, $0x38;
	[tilespmem:$0x18600] =	vst v63  }
0x69: {  	_ = 	snop  }
0x6a: {  	[tilespmem:s12], [sflag:$0x7] =	stream.linear.gather [hbm4b:s11+s5], $0x100, $0x38;
	[tilespmem:$0x18600] =	vst v63  }
0x6b: {  	_ = 	snop  }
0x6c: {  	[tilespmem:s14], [sflag:$0x7] =	stream.linear.gather [hbm4b:s13+s5], $0x100, $0x38;
	[tilespmem:$0x18600] =	vst v63  }
0x6d: {  	_ =	swait.ge [sflag:s15], $0x100  }
0x6e: {  	[sflag:s15] =	ssyncset.done $0x0  }
0x6f: {  	[sflag:s15] =	ssyncadd.s32 $0xFFFFFF00  }
0x70: {  	_ =	swait.ge [sflag:s15], $0x100  }
0x71: {  	[sflag:s15] =	ssyncset.done $0x0  }
0x72: {  	[sflag:s15] =	ssyncadd.s32 $0xFFFFFF00  }
0x73: {  	_ =	swait.ge [sflag:s15], $0x100  }
0x74: {  	[sflag:s15] =	ssyncset.done $0x0  }
0x75: {  	[sflag:s15] =	ssyncadd.s32 $0xFFFFFF00  }
0x76: {  	_ =	swait.ge [sflag:s15], $0x100  }
0x77: {  	[sflag:s15] =	ssyncset.done $0x0  }
0x78: {  	[sflag:s15] =	ssyncadd.s32 $0xFFFFFF00  }
0x79: {  	_ =	swait.ge [sflag:s15], $0x100  }
0x7a: {  	[sflag:s15] =	ssyncset.done $0x0  }
0x7b: {  	[sflag:s15] =	ssyncadd.s32 $0xFFFFFF00  }
0x7c: {  	_ =	swait.ge [sflag:s15], $0x100  }
0x7d: {  	[sflag:s15] =	ssyncset.done $0x0  }
0x7e: {  	[sflag:s15] =	ssyncadd.s32 $0xFFFFFF00  }
0x7f: {  	s2 =	rddreg [dreg:$0x0]  }
0x80: {  	[tilespmem:s16], [sflag:$0x1] =	stream.indirect.gather [hbm4b:s2+s6], $0x80, s5, s6, $0xb8;
	[tilespmem:$0x18600] =	vst v63  }
0x81: {  	_ = 	snop  }
0x82: {  	[tilespmem:s17], [sflag:$0x2] =	stream.indirect.gather [hbm4b:s2+s6], $0x80, s6, s6, $0xb8;
	[tilespmem:$0x18600] =	vst v63  }
0x83: {  	_ = 	snop  }
0x84: {  	[tilespmem:s18], [sflag:$0x3] =	stream.indirect.gather [hbm4b:s1+s6], $0x80, s8, s6, $0xb8;
	[tilespmem:$0x18600] =	vst v63  }
0x85: {  	_ =	swait.ge [sflag:s19], $0x8000  }
0x86: {  	[sflag:s19] =	ssyncset.done $0x0  }
0x87: {  	[sflag:s19] =	ssyncadd.s32 $0xFFFF8000  }
0x88: {  	[hbm4b:s20+s5] =	stream.linear.scatter [tilespmem:s16], [sflag:$0x4], $0x8000, $0x38;
	[tilespmem:$0x18600] =	vst v63  }
0x89: {  	_ =	swait.ge [sflag:s21], $0x8000  }
0x8a: {  	[sflag:s21] =	ssyncset.done $0x0  }
0x8b: {  	[sflag:s21] =	ssyncadd.s32 $0xFFFF8000  }
0x8c: {  	[tilespmem:s16], [sflag:$0x1] =	stream.indirect.gather [hbm4b:s1+s6], $0x80, s10, s6, $0xb8;
	[tilespmem:$0x18600] =	vst v63  }
0x8d: {  	_ =	swait.ge [sflag:s22], $0x8000  }
0x8e: {  	[sflag:s22] =	ssyncset.done $0x0  }
0x8f: {  	[sflag:s22] =	ssyncadd.s32 $0xFFFF8000  }
0x90: {  	[hbm4b:s23+s5] =	stream.linear.scatter [tilespmem:s17], [sflag:$0x5], $0x8000, $0x38;
	[tilespmem:$0x18600] =	vst v63  }
0x91: {  	_ =	swait.ge [sflag:s24], $0x8000  }
0x92: {  	[sflag:s24] =	ssyncset.done $0x0  }
0x93: {  	[sflag:s24] =	ssyncadd.s32 $0xFFFF8000  }
0x94: {  	[tilespmem:s17], [sflag:$0x2] =	stream.indirect.gather [hbm4b:s3+s6], $0x80, s12, s6, $0xb8;
	[tilespmem:$0x18600] =	vst v63  }
0x95: {  	_ =	swait.ge [sflag:s25], $0x8000  }
0x96: {  	[sflag:s25] =	ssyncset.done $0x0  }
0x97: {  	[sflag:s25] =	ssyncadd.s32 $0xFFFF8000  }
0x98: {  	[hbm4b:s28+s5] =	stream.linear.scatter [tilespmem:s18], [sflag:$0x6], $0x8000, $0x38;
	[tilespmem:$0x18600] =	vst v63  }
0x99: {  	_ =	swait.ge [sflag:s26], $0x8000  }
0x9a: {  	[sflag:s26] =	ssyncset.done $0x0  }
0x9b: {  	[sflag:s26] =	ssyncadd.s32 $0xFFFF8000  }
0x9c: {  	[tilespmem:s18], [sflag:$0x3] =	stream.indirect.gather [hbm4b:s3+s6], $0x80, s14, s6, $0xb8;
	[tilespmem:$0x18600] =	vst v63  }
0x9d: {  	_ =	swait.ge [sflag:s19], $0x8000  }
0x9e: {  	[sflag:s19] =	ssyncset.done $0x0  }
0x9f: {  	[sflag:s19] =	ssyncadd.s32 $0xFFFF8000  }
0xa0: {  	[hbm4b:s29+s5] =	stream.linear.scatter [tilespmem:s16], [sflag:$0x4], $0x8000, $0x38;
	[tilespmem:$0x18600] =	vst v63  }
0xa1: {  	_ =	swait.ge [sflag:s22], $0x8000  }
0xa2: {  	[sflag:s22] =	ssyncset.done $0x0  }
0xa3: {  	[sflag:s22] =	ssyncadd.s32 $0xFFFF8000  }
0xa4: {  	[hbm4b:s30+s5] =	stream.linear.scatter [tilespmem:s17], [sflag:$0x5], $0x8000, $0x38;
	[tilespmem:$0x18600] =	vst v63  }
0xa5: {  	_ =	swait.ge [sflag:s25], $0x8000  }
0xa6: {  	[sflag:s25] =	ssyncset.done $0x0  }
0xa7: {  	[sflag:s25] =	ssyncadd.s32 $0xFFFF8000  }
0xa8: {  	[hbm4b:s31+s5] =	stream.linear.scatter [tilespmem:s18], [sflag:$0x6], $0x8000, $0x38;
	[tilespmem:$0x18600] =	vst v63  }
0xa9: {  	_ =	swait.ge [sflag:s21], $0x8000  }
0xaa: {  	p0 =	sne.s32 s4, $0x1;
	[sflag:s21] =	ssyncset.done $0x0  }
.Ltmp1:
0xab: {  	[sflag:s21] =	ssyncadd.s32 $0xFFFF8000;
	(pc) =	sbr.rel @p0 .LBB2_1-.Ltmp1, $4  }
0xac: {  	_ =	swait.ge [sflag:s24], $0x8000  }
0xad: {  	[sflag:s24] =	ssyncset.done $0x0  }
0xae: {  	[sflag:s24] =	ssyncadd.s32 $0xFFFF8000  }
0xaf: {  	s4 =	sadd.s32 $0xFFFFFFFF, s4;
	_ =	swait.ge [sflag:s26], $0x8000  }
.LBB2_2:
0xb0: {  	[sflag:s26] =	ssyncset.done $0x0  }
0xb1: {  	[sflag:s26] =	ssyncadd.s32 $0xFFFF8000  }
0xb2: {  	_ =	sfence.sel $0x180000  }
0xb3: {  	[bflag:$0x0] =	sbarrier.arrive $0xFFFF  }
0xb4: {  	_ =	strace $0x90000047  }
0xb5: {  	s0 =	stileid.u32;
	[bflag:$0x2] =	sbarrier.arrive $0xFFFF  }
0xb6: {  	p0 =	sne.s32 s0, $0x0;
	s0 =	rddreg [dreg:$0x8]  }
0xb7: {  	s0 =	sadd.s32 @!p0 $0x100000, s0  }
0xb8: {  	[sflag:s0] =	ssyncadd.tile.s32 @!p0 $0x1;
	_ =	shalt  }
.Lfunc_end2:
_tile_overlayer_lowered:
.L_overlay_start_2:
0xb9: {  	(tag) =	ssettag $0x2  }
0xba: {  	s0 =	rddreg [dreg:$0x0];
	s2 =	stileid.u32  }
0xbb: {  	s1 =	rddreg [dreg:$0x1];
	p0 =	sne.s32 s2, $0x0  }
0xbc: {  	s3 =	rddreg [dreg:$0x2];
	[bflag:$0x3] =	sbarrier.arrive $0xFFFF;
	s2 =	simm.s32 @!p0 $0x1C08  }
0xbd: {  	[timem:s3], [sflag:s2] =	dma.local @!p0 [hbm:s0], s1  }
0xbe: {  	s0 =	simm.s32 @!p0 $0x8  }
0xbf: {  	_ =	swait.ge @!p0 [sflag:s0], s1  }
0xc0: {  	s1 =	ssub.s32 @!p0 $0x0, s1;
	[sflag:s0] =	ssyncset.done @!p0 $0x0  }
0xc1: {  	[sflag:s0] =	ssyncadd.s32 @!p0 s1  }
0xc2: {  	[bflag:$0x3] =	sbarrier.arrive $0xFFFF  }
0xc3: {  	_ =	shalt  }

</sc_bundles>
